<compile_context>
chip_gen: v7x
topology: tpu7x:2x2x1
jax: 0.10.2.dev20260603
libtpu: 0.0.44.dev20260713+nightly
codegen_flags: <defaults>
</compile_context>

<pallas_src>
import functools

import jax
import jax.numpy as jnp
from jax.experimental import pallas as pl
from jax.experimental.pallas import tpu as pltpu
from jax.experimental.pallas import tpu_sc as plsc

HID = 128
EDGE_BLK = 4000
_NC, _NS = 2, 16
_NW = _NC * _NS


def _bdot(a, b):
    return jnp.dot(a.astype(jnp.bfloat16), b.astype(jnp.bfloat16),
                   preferred_element_type=jnp.float32,
                   precision=jax.lax.Precision.HIGHEST)


def _bdot_tc(a, b):
    return jnp.dot(a.astype(jnp.bfloat16), b.astype(jnp.bfloat16),
                   preferred_element_type=jnp.float32)


def _edge_block_body(with_m, rij_ref, hr_ref, hc_ref, ef_ref,
                     W1_ref, b1_ref, W2_ref, b2_ref,
                     Wc1_ref, bc1_ref, wc2_ref, bc2_ref, *out_ref):
    if with_m:
        pass
    else:
        (out_ref,) = out_ref
    rij = rij_ref[...]
    scal = jnp.sum(rij * rij, axis=-1, keepdims=True)
    inp = jnp.concatenate([scal, hr_ref[...], hc_ref[...], ef_ref[...]],
                          axis=-1)
    u = jax.nn.silu(_bdot_tc(inp, W1_ref[...]) + b1_ref[...])
    m = jax.nn.silu(_bdot_tc(u, W2_ref[...]) + b2_ref[...])
    c1 = jax.nn.silu(_bdot_tc(m, Wc1_ref[...]) + bc1_ref[...])
    coord = _bdot_tc(c1, wc2_ref[...]) + bc2_ref[...]
    f = rij * coord
    ones = jnp.ones((f.shape[0], 3), jnp.float32)
    pad = jnp.zeros((f.shape[0], 122), jnp.float32)
    if with_m:
        m_ref, f_ref = out_ref
        m_ref[...] = m
        f_ref[...] = jnp.concatenate([f, ones, pad], axis=-1)
    else:
        out_ref[...] = jnp.concatenate([f, ones, pad], axis=-1)


@functools.partial(jax.jit, static_argnames=("n_edges", "with_m"))
def _edge_mlp(rij, hr, hc, ef, W1, b1, W2, b2, Wc1, bc1, wc2, bc2,
              n_edges, with_m):
    nblk = n_edges // EDGE_BLK
    eb = lambda w: pl.BlockSpec((EDGE_BLK, w), lambda i: (i, 0))
    fullb = lambda a: pl.BlockSpec(a.shape, lambda i: (0, 0))
    wargs = (W1, b1, W2, b2, Wc1, bc1, wc2, bc2)
    oshape = jax.ShapeDtypeStruct((n_edges, HID), jnp.float32)
    out_specs = [eb(HID), eb(HID)] if with_m else [eb(HID)]
    out_shape = [oshape, oshape] if with_m else [oshape]
    return pl.pallas_call(
        functools.partial(_edge_block_body, with_m),
        grid=(nblk,),
        in_specs=[eb(3), eb(HID), eb(HID), eb(16)] + [fullb(a) for a in wargs],
        out_specs=out_specs,
        out_shape=out_shape,
    )(rij, hr, hc, ef, W1, b1, W2, b2, Wc1, bc1, wc2, bc2)


def _make_sc_scatter(E, N, D):
    W = 256
    NWIN = E // W
    ROWS_T = N // _NS
    mesh = plsc.VectorSubcoreMesh(core_axis_name="c", subcore_axis_name="s",
                                  num_cores=_NC, num_subcores=_NS)

    def body(upd_hbm, idx_hbm, zero_hbm, out_hbm, win_v, idx_v, acc_sh):
        c = jax.lax.axis_index("c")
        s = jax.lax.axis_index("s")
        wid = c * _NS + s
        pltpu.sync_copy(zero_hbm, acc_sh.at[pl.ds(s * ROWS_T, ROWS_T)])
        plsc.subcore_barrier()
        lo = (wid * NWIN) // _NW
        hi = ((wid + 1) * NWIN) // _NW

        def step(w, carry):
            pltpu.sync_copy(idx_hbm.at[pl.ds(w * W, W)], idx_v)
            pltpu.sync_copy(upd_hbm.at[pl.ds(w * W, W)], win_v)
            pltpu.sync_copy(win_v, acc_sh.at[idx_v], add=True)
            return carry

        jax.lax.fori_loop(lo, hi, step, 0)
        plsc.subcore_barrier()
        pltpu.sync_copy(acc_sh.at[pl.ds(s * ROWS_T, ROWS_T)],
                        out_hbm.at[c, pl.ds(s * ROWS_T, ROWS_T)])

    return pl.kernel(
        body,
        out_type=jax.ShapeDtypeStruct((_NC, N, D), jnp.float32),
        mesh=mesh,
        scratch_types=[
            pltpu.VMEM((W, D), jnp.float32),
            pltpu.VMEM((W,), jnp.int32),
            pltpu.VMEM_SHARED((N, D), jnp.float32),
        ],
    )


def _make_sc_gather(E, NPAD, D):
    W = 256
    NWIN = E // W
    ROWS_T = NPAD // _NS
    mesh = plsc.VectorSubcoreMesh(core_axis_name="c", subcore_axis_name="s",
                                  num_cores=_NC, num_subcores=_NS)

    def body(tab_hbm, idxr_hbm, idxc_hbm, hr_hbm, hc_hbm,
             idx_v, rows_v, tab_sh, sem):
        c = jax.lax.axis_index("c")
        s = jax.lax.axis_index("s")
        wid = c * _NS + s
        pltpu.sync_copy(tab_hbm.at[pl.ds(s * ROWS_T, ROWS_T)],
                        tab_sh.at[pl.ds(s * ROWS_T, ROWS_T)])
        plsc.subcore_barrier()
        lo = (wid * NWIN) // _NW
        hi = ((wid + 1) * NWIN) // _NW

        def step(w, carry):
            for idx_hbm, out_hbm in ((idxr_hbm, hr_hbm), (idxc_hbm, hc_hbm)):
                pltpu.sync_copy(idx_hbm.at[pl.ds(w * W, W)], idx_v)
                pltpu.async_copy(tab_sh.at[idx_v], rows_v, sem).wait()
                pltpu.sync_copy(rows_v, out_hbm.at[pl.ds(w * W, W)])
            return carry

        jax.lax.fori_loop(lo, hi, step, 0)

    return pl.kernel(
        body,
        out_type=[jax.ShapeDtypeStruct((E, D), jnp.float32),
                  jax.ShapeDtypeStruct((E, D), jnp.float32)],
        mesh=mesh,
        scratch_types=[
            pltpu.VMEM((W,), jnp.int32),
            pltpu.VMEM((W, D), jnp.float32),
            pltpu.VMEM_SHARED((NPAD, D), jnp.float32),
            pltpu.SemaphoreType.DMA,
        ],
    )


@functools.partial(jax.jit, static_argnames=())
def _sc_gather(table, idxr, idxc):
    N, D = table.shape
    E = idxr.shape[0]
    npad = -(-N // (8 * _NS)) * (8 * _NS)
    tab = jnp.zeros((npad, D), jnp.float32).at[:N].set(table)
    return _make_sc_gather(E, npad, D)(tab, idxr, idxc)


@functools.partial(jax.jit, static_argnames=("n_nodes",))
def _sc_scatter(upd, idx1d, n_nodes):
    E, D = upd.shape
    npad = -(-n_nodes // (8 * _NS)) * (8 * _NS)
    zeros_t = jnp.zeros((npad // _NS, D), jnp.float32)
    part = _make_sc_scatter(E, npad, D)(upd, idx1d, zeros_t)
    return (part[0] + part[1])[:n_nodes]


def kernel(x, h, edge_fea, params, edge_index):
    row, col = edge_index[0], edge_index[1]
    E = row.shape[0]
    N = x.shape[0]
    perm = jnp.argsort(row, stable=True)
    row = row[perm]
    col = col[perm]
    edge_fea = edge_fea[perm]
    idx1d = row
    h = _bdot(h, params["embed"]["w"]) + params["embed"]["b"]
    deg_clip = None
    n_layers = len(params["layers"])
    for li, p in enumerate(params["layers"]):
        with_m = li + 1 < n_layers
        rij = x[row] - x[col]
        hr, hc = _sc_gather(h, row, col)
        outs = _edge_mlp(
            rij, hr, hc, edge_fea,
            p["edge_mlp"][0]["w"], p["edge_mlp"][0]["b"].reshape(1, -1),
            p["edge_mlp"][1]["w"], p["edge_mlp"][1]["b"].reshape(1, -1),
            p["coord_mlp"][0]["w"], p["coord_mlp"][0]["b"].reshape(1, -1),
            p["coord_mlp"][1]["w"], p["coord_mlp"][1]["b"].reshape(1, 1),
            n_edges=E, with_m=with_m)
        fpack = outs[-1]
        totf = _sc_scatter(fpack, idx1d, n_nodes=N)
        if deg_clip is None:
            deg_clip = jnp.clip(totf[:, 3:6], 1.0, None)
        tot_f = jnp.clip(totf[:, :3] / deg_clip, -100.0, 100.0)
        x = x + tot_f
        if with_m:
            tot_m = _sc_scatter(outs[0], idx1d, n_nodes=N)
            node_message = jnp.concatenate([h, tot_m], axis=-1)
            un = jax.nn.silu(_bdot(node_message, p["node_mlp"][0]["w"]) + p["node_mlp"][0]["b"])
            h = _bdot(un, p["node_mlp"][1]["w"]) + p["node_mlp"][1]["b"]
    return x

# --- scband reference (transcript-rebuilt; emitter-appended) ---
"""Pipeline reference for scband-eghn-31928786878583 (READ-ONLY COPY).

The authoritative reference and input builder live on the scoring server;
editing this copy changes nothing except your own understanding.
"""

import jax, jax.numpy as jnp
import numpy as np

N = 10000
E = 160000
IN_NODE = 128
IN_EDGE = 16
HID = 128
N_LAYERS = 4


def _mlp_params(key, dims):
    ks = jax.random.split(key, len(dims) - 1)
    layers = []
    for k, (a, b) in zip(ks, zip(dims[:-1], dims[1:])):
        w = jax.random.normal(k, (a, b), jnp.float32) * (1.0 / np.sqrt(a))
        layers.append({"w": w, "b": jnp.zeros((b,), jnp.float32)})
    return layers


def setup_inputs(seed: int = 0) -> dict:
    key = jax.random.key(seed)
    k = jax.random.split(key, 6)
    x = jax.random.normal(k[0], (N, 3), jnp.float32)
    h = jax.random.normal(k[1], (N, IN_NODE), jnp.float32)
    edge_index = jax.random.randint(k[2], (2, E), 0, N)
    edge_fea = jax.random.normal(k[3], (E, IN_EDGE), jnp.float32)
    params = {"embed": _mlp_params(k[4], [IN_NODE, HID])[0], "layers": []}
    lk = jax.random.split(k[5], N_LAYERS)
    for i in range(N_LAYERS):
        sk = jax.random.split(lk[i], 3)
        params["layers"].append({
            "edge_mlp": _mlp_params(sk[0], [1 + 2 * HID + IN_EDGE, HID, HID]),
            "coord_mlp": _mlp_params(sk[1], [HID, HID, 1]),
            "node_mlp": _mlp_params(sk[2], [2 * HID, HID, HID]),
        })
    return {"x": x, "h": h, "edge_fea": edge_fea, "params": params, "edge_index": edge_index}


def _base_mlp(layers, x, last_act):
    # BaseMLP: Linear -> SiLU -> Linear (-> SiLU if last_act)
    x = jax.nn.silu(x @ layers[0]["w"] + layers[0]["b"])
    x = x @ layers[1]["w"] + layers[1]["b"]
    if last_act:
        x = jax.nn.silu(x)
    return x


def _egnn_layer(p, x, h, edge_index, edge_fea):
    row, col = edge_index[0], edge_index[1]
    rij = x[row] - x[col]
    # InvariantScalarNet with n_vector_input=1, norm=False:
    # Z = rij[:, :, None]; scalar = Z^T Z reshaped -> sum of squares [E, 1]
    scalar = jnp.sum(rij * rij, axis=-1, keepdims=True)
    hij = jnp.concatenate([h[row], h[col], edge_fea], axis=-1)
    inp = jnp.concatenate([scalar, hij], axis=-1)
    message = _base_mlp(p["edge_mlp"], inp, last_act=True)
    coord_message = _base_mlp(p["coord_mlp"], message, last_act=False)
    f = rij * coord_message
    # aggregate(mean) over row index
    tot_f = jnp.zeros((x.shape[0], 3), jnp.float32).at[row].add(f)
    count = jnp.zeros((x.shape[0], 3), jnp.float32).at[row].add(jnp.ones_like(f))
    tot_f = tot_f / jnp.clip(count, 1.0, None)
    tot_f = jnp.clip(tot_f, -100.0, 100.0)
    x = x + tot_f
    # aggregate(sum) of messages, then node update
    tot_message = jnp.zeros((x.shape[0], message.shape[1]), jnp.float32).at[row].add(message)
    node_message = jnp.concatenate([h, tot_message], axis=-1)
    h = _base_mlp(p["node_mlp"], node_message, last_act=False)
    return x, h


def reference(x, h, edge_fea, params, edge_index):
    h = h @ params["embed"]["w"] + params["embed"]["b"]
    for p in params["layers"]:
        x, h = _egnn_layer(p, x, h, edge_index, edge_fea)
    return x

if __name__ == "__main__":
    import jax
    _d = setup_inputs()
    print(jax.jit(kernel)(*tuple(_d.values())))

</pallas_src>

<mosaic_0001>
#map = affine_map<(d0, d1) -> (0, 0)>
#map1 = affine_map<(d0, d1) -> (0)>
module attributes {stable_mosaic.version = 14 : i64} {
  func.func @body(%arg0: i32, %arg1: i32, %arg2: memref<10112x128xf32, #tpu.memory_space<hbm>>, %arg3: memref<160000xi32, #tpu.memory_space<hbm>>, %arg4: memref<160000xi32, #tpu.memory_space<hbm>>, %arg5: memref<160000x128xf32, #tpu.memory_space<hbm>>, %arg6: memref<160000x128xf32, #tpu.memory_space<hbm>>, %arg7: memref<256xi32, #tpu.memory_space<vmem>>, %arg8: memref<256x128xf32, #tpu.memory_space<vmem>>, %arg9: memref<10112x128xf32, #tpu.memory_space<vmem_shared>>, %arg10: memref<!tpu.dma_semaphore, #tpu.memory_space<semaphore_mem>>) attributes {dimension_semantics = [#tpu.dimension_semantics<core_parallel>, #tpu.dimension_semantics<subcore_parallel>], iteration_bounds = array<i64: 2, 16>, scalar_prefetch = 0 : i64, scratch_operands = 4 : i64, tpu.core_type = #tpu.core_type<sc_vector_subcore>, window_params = [{transform_indices = #map}, {transform_indices = #map1}, {transform_indices = #map1}, {transform_indices = #map}, {transform_indices = #map}]} {
    %mul3A = arith.constant 16 : i32
    %mul3A_0 = arith.muli %arg0, %mul3A : i32
    %add3A = arith.addi %mul3A_0, %arg1 : i32
    %mul3A_1 = arith.constant 632 : i32
    %mul3A_2 = arith.muli %arg1, %mul3A_1 : i32
    %mul3A_3 = arith.constant 632 : i32
    %mul3A_4 = arith.muli %arg1, %mul3A_3 : i32
    "tpu.region"() ({
      %run_scoped3A = tpu.sem_alloc : memref<!tpu.dma_semaphore, #tpu.memory_space<semaphore_mem>>
      %dma_start3A = arith.constant 0 : i32
      %dma_start3A_59 = tpu.memref_slice %arg9[%mul3A_4, %dma_start3A] : memref<10112x128xf32, #tpu.memory_space<vmem_shared>> -> memref<632x128xf32, #tpu.memory_space<vmem_shared>>
      %dma_start3A_60 = arith.constant 0 : i32
      %dma_start3A_61 = tpu.memref_slice %arg2[%mul3A_2, %dma_start3A_60] : memref<10112x128xf32, #tpu.memory_space<hbm>> -> memref<632x128xf32, #tpu.memory_space<hbm>>
      tpu.enqueue_dma source(%dma_start3A_61 : memref<632x128xf32, #tpu.memory_space<hbm>>) target(%dma_start3A_59 : memref<632x128xf32, #tpu.memory_space<vmem_shared>>) target_semaphore(%run_scoped3A : memref<!tpu.dma_semaphore, #tpu.memory_space<semaphore_mem>>)
      %dma_wait3A = arith.constant 0 : i32
      %dma_wait3A_62 = tpu.memref_slice %arg9[%mul3A_4, %dma_wait3A] : memref<10112x128xf32, #tpu.memory_space<vmem_shared>> -> memref<632x128xf32, #tpu.memory_space<vmem_shared>>
      %dma_wait3A_63 = arith.constant 0 : i32
      %dma_wait3A_64 = tpu.memref_slice %arg2[%mul3A_2, %dma_wait3A_63] : memref<10112x128xf32, #tpu.memory_space<hbm>> -> memref<632x128xf32, #tpu.memory_space<hbm>>
      tpu.wait_dma2 semaphore(%run_scoped3A : memref<!tpu.dma_semaphore, #tpu.memory_space<semaphore_mem>>) src(%dma_wait3A_64 : memref<632x128xf32, #tpu.memory_space<hbm>>) dst(%dma_wait3A_62 : memref<632x128xf32, #tpu.memory_space<vmem_shared>>)
      tpu.yield
    }) : () -> ()
    %barrier3A = arith.constant 0 : index
    tpu.barrier barrier_id(%barrier3A)
    %mul3A_5 = arith.constant 625 : i32
    %mul3A_6 = arith.muli %add3A, %mul3A_5 : i32
    %jit3A = arith.constant 32 : i32
    %div3A = arith.divsi %mul3A_6, %jit3A : i32
    %sign3A = arith.constant 0 : i32
    %sign3A_7 = arith.cmpi sgt, %mul3A_6, %sign3A : i32
    %sign3A_8 = arith.extui %sign3A_7 : i1 to i32
    %sign3A_9 = arith.constant 0 : i32
    %sign3A_10 = arith.cmpi slt, %mul3A_6, %sign3A_9 : i32
    %sign3A_11 = arith.extui %sign3A_10 : i1 to i32
    %sign3A_12 = arith.subi %sign3A_8, %sign3A_11 : i32
    %sign3A_13 = arith.constant 0 : i32
    %sign3A_14 = arith.cmpi sgt, %jit3A, %sign3A_13 : i32
    %sign3A_15 = arith.extui %sign3A_14 : i1 to i32
    %sign3A_16 = arith.constant 0 : i32
    %sign3A_17 = arith.cmpi slt, %jit3A, %sign3A_16 : i32
    %sign3A_18 = arith.extui %sign3A_17 : i1 to i32
    %sign3A_19 = arith.subi %sign3A_15, %sign3A_18 : i32
    %ne3A = arith.cmpi ne, %sign3A_12, %sign3A_19 : i32
    %rem3A = arith.remsi %mul3A_6, %jit3A : i32
    %ne3A_20 = arith.constant 0 : i32
    %ne3A_21 = arith.cmpi ne, %rem3A, %ne3A_20 : i32
    %and3A = arith.andi %ne3A, %ne3A_21 : i1
    %sub3A = arith.constant 1 : i32
    %sub3A_22 = arith.subi %div3A, %sub3A : i32
    %select_n3A = arith.select %and3A, %sub3A_22, %div3A : i32
    %add3A_23 = arith.constant 1 : i32
    %add3A_24 = arith.addi %add3A, %add3A_23 : i32
    %mul3A_25 = arith.constant 625 : i32
    %mul3A_26 = arith.muli %add3A_24, %mul3A_25 : i32
    %jit3A_27 = arith.constant 32 : i32
    %div3A_28 = arith.divsi %mul3A_26, %jit3A_27 : i32
    %sign3A_29 = arith.constant 0 : i32
    %sign3A_30 = arith.cmpi sgt, %mul3A_26, %sign3A_29 : i32
    %sign3A_31 = arith.extui %sign3A_30 : i1 to i32
    %sign3A_32 = arith.constant 0 : i32
    %sign3A_33 = arith.cmpi slt, %mul3A_26, %sign3A_32 : i32
    %sign3A_34 = arith.extui %sign3A_33 : i1 to i32
    %sign3A_35 = arith.subi %sign3A_31, %sign3A_34 : i32
    %sign3A_36 = arith.constant 0 : i32
    %sign3A_37 = arith.cmpi sgt, %jit3A_27, %sign3A_36 : i32
    %sign3A_38 = arith.extui %sign3A_37 : i1 to i32
    %sign3A_39 = arith.constant 0 : i32
    %sign3A_40 = arith.cmpi slt, %jit3A_27, %sign3A_39 : i32
    %sign3A_41 = arith.extui %sign3A_40 : i1 to i32
    %sign3A_42 = arith.subi %sign3A_38, %sign3A_41 : i32
    %ne3A_43 = arith.cmpi ne, %sign3A_35, %sign3A_42 : i32
    %rem3A_44 = arith.remsi %mul3A_26, %jit3A_27 : i32
    %ne3A_45 = arith.constant 0 : i32
    %ne3A_46 = arith.cmpi ne, %rem3A_44, %ne3A_45 : i32
    %and3A_47 = arith.andi %ne3A_43, %ne3A_46 : i1
    %sub3A_48 = arith.constant 1 : i32
    %sub3A_49 = arith.subi %div3A_28, %sub3A_48 : i32
    %select_n3A_50 = arith.select %and3A_47, %sub3A_49, %div3A_28 : i32
    %while3A = arith.constant 0 : i32
    %while3A_51 = arith.subi %select_n3A_50, %select_n3A : i32
    %while3A_52 = arith.addi %select_n3A, %while3A_51 : i32
    %while3A_53 = arith.constant 1 : i32
    %while3A_54 = arith.divsi %while3A_51, %while3A_53 : i32
    %while3A_55 = arith.muli %while3A_54, %while3A_53 : i32
    %while3A_56 = arith.addi %select_n3A, %while3A_55 : i32
    %while3A_57 = arith.constant 1 : i32
    scf.for %while3A_59 = %select_n3A to %while3A_56 step %while3A_57  : i32 {
      %mul3A_60 = arith.constant 256 : i32
      %mul3A_61 = arith.muli %while3A_59, %mul3A_60 : i32
      "tpu.region"() ({
        %run_scoped3A = tpu.sem_alloc : memref<!tpu.dma_semaphore, #tpu.memory_space<semaphore_mem>>
        %dma_start3A_78 = tpu.memref_slice %arg3[%mul3A_61] : memref<160000xi32, #tpu.memory_space<hbm>> -> memref<256xi32, #tpu.memory_space<hbm>>
        %dma_start3A_79 = tpu.memref_slice %arg3[%mul3A_61] : memref<160000xi32, #tpu.memory_space<hbm>> -> memref<256xi32, #tpu.memory_space<hbm>>
        tpu.enqueue_dma source(%dma_start3A_79 : memref<256xi32, #tpu.memory_space<hbm>>) target(%arg7 : memref<256xi32, #tpu.memory_space<vmem>>) target_semaphore(%run_scoped3A : memref<!tpu.dma_semaphore, #tpu.memory_space<semaphore_mem>>)
        %dma_wait3A_80 = tpu.memref_slice %arg3[%mul3A_61] : memref<160000xi32, #tpu.memory_space<hbm>> -> memref<256xi32, #tpu.memory_space<hbm>>
        %dma_wait3A_81 = tpu.memref_slice %arg3[%mul3A_61] : memref<160000xi32, #tpu.memory_space<hbm>> -> memref<256xi32, #tpu.memory_space<hbm>>
        tpu.wait_dma2 semaphore(%run_scoped3A : memref<!tpu.dma_semaphore, #tpu.memory_space<semaphore_mem>>) src(%dma_wait3A_81 : memref<256xi32, #tpu.memory_space<hbm>>) dst(%arg7 : memref<256xi32, #tpu.memory_space<vmem>>)
        tpu.yield
      }) : () -> ()
      %dma_start3A = arith.constant 0 : i32
      %dma_start3A_62 = arith.constant 0 : i32
      %dma_start3A_63 = tpu.memref_slice %arg9[%dma_start3A, %dma_start3A_62] : memref<10112x128xf32, #tpu.memory_space<vmem_shared>> -> memref<10112x128xf32, #tpu.memory_space<vmem_shared>>
      tpu.enqueue_indirect_dma source(%dma_start3A_63 : memref<10112x128xf32, #tpu.memory_space<vmem_shared>>) target(%arg8 : memref<256x128xf32, #tpu.memory_space<vmem>>) offsets(%arg7 : memref<256xi32, #tpu.memory_space<vmem>>) semaphore(%arg10 : memref<!tpu.dma_semaphore, #tpu.memory_space<semaphore_mem>>)
      %dma_wait3A = arith.constant 0 : i32
      %dma_wait3A_64 = arith.constant 0 : i32
      %dma_wait3A_65 = tpu.memref_slice %arg9[%dma_wait3A, %dma_wait3A_64] : memref<10112x128xf32, #tpu.memory_space<vmem_shared>> -> memref<10112x128xf32, #tpu.memory_space<vmem_shared>>
      tpu.wait_indirect_dma semaphore(%arg10 : memref<!tpu.dma_semaphore, #tpu.memory_space<semaphore_mem>>) src(%dma_wait3A_65 : memref<10112x128xf32, #tpu.memory_space<vmem_shared>>) dst(%arg8 : memref<256x128xf32, #tpu.memory_space<vmem>>)
      %mul3A_66 = arith.constant 256 : i32
      %mul3A_67 = arith.muli %while3A_59, %mul3A_66 : i32
      "tpu.region"() ({
        %run_scoped3A = tpu.sem_alloc : memref<!tpu.dma_semaphore, #tpu.memory_space<semaphore_mem>>
        %dma_start3A_78 = arith.constant 0 : i32
        %dma_start3A_79 = tpu.memref_slice %arg5[%mul3A_67, %dma_start3A_78] : memref<160000x128xf32, #tpu.memory_space<hbm>> -> memref<256x128xf32, #tpu.memory_space<hbm>>
        %dma_start3A_80 = arith.constant 0 : i32
        %dma_start3A_81 = tpu.memref_slice %arg5[%mul3A_67, %dma_start3A_80] : memref<160000x128xf32, #tpu.memory_space<hbm>> -> memref<256x128xf32, #tpu.memory_space<hbm>>
        tpu.enqueue_dma source(%arg8 : memref<256x128xf32, #tpu.memory_space<vmem>>) target(%dma_start3A_81 : memref<256x128xf32, #tpu.memory_space<hbm>>) target_semaphore(%run_scoped3A : memref<!tpu.dma_semaphore, #tpu.memory_space<semaphore_mem>>)
        %dma_wait3A_82 = arith.constant 0 : i32
        %dma_wait3A_83 = tpu.memref_slice %arg5[%mul3A_67, %dma_wait3A_82] : memref<160000x128xf32, #tpu.memory_space<hbm>> -> memref<256x128xf32, #tpu.memory_space<hbm>>
        %dma_wait3A_84 = arith.constant 0 : i32
        %dma_wait3A_85 = tpu.memref_slice %arg5[%mul3A_67, %dma_wait3A_84] : memref<160000x128xf32, #tpu.memory_space<hbm>> -> memref<256x128xf32, #tpu.memory_space<hbm>>
        tpu.wait_dma2 semaphore(%run_scoped3A : memref<!tpu.dma_semaphore, #tpu.memory_space<semaphore_mem>>) src(%arg8 : memref<256x128xf32, #tpu.memory_space<vmem>>) dst(%dma_wait3A_85 : memref<256x128xf32, #tpu.memory_space<hbm>>)
        tpu.yield
      }) : () -> ()
      %mul3A_68 = arith.constant 256 : i32
      %mul3A_69 = arith.muli %while3A_59, %mul3A_68 : i32
      "tpu.region"() ({
        %run_scoped3A = tpu.sem_alloc : memref<!tpu.dma_semaphore, #tpu.memory_space<semaphore_mem>>
        %dma_start3A_78 = tpu.memref_slice %arg4[%mul3A_69] : memref<160000xi32, #tpu.memory_space<hbm>> -> memref<256xi32, #tpu.memory_space<hbm>>
        %dma_start3A_79 = tpu.memref_slice %arg4[%mul3A_69] : memref<160000xi32, #tpu.memory_space<hbm>> -> memref<256xi32, #tpu.memory_space<hbm>>
        tpu.enqueue_dma source(%dma_start3A_79 : memref<256xi32, #tpu.memory_space<hbm>>) target(%arg7 : memref<256xi32, #tpu.memory_space<vmem>>) target_semaphore(%run_scoped3A : memref<!tpu.dma_semaphore, #tpu.memory_space<semaphore_mem>>)
        %dma_wait3A_80 = tpu.memref_slice %arg4[%mul3A_69] : memref<160000xi32, #tpu.memory_space<hbm>> -> memref<256xi32, #tpu.memory_space<hbm>>
        %dma_wait3A_81 = tpu.memref_slice %arg4[%mul3A_69] : memref<160000xi32, #tpu.memory_space<hbm>> -> memref<256xi32, #tpu.memory_space<hbm>>
        tpu.wait_dma2 semaphore(%run_scoped3A : memref<!tpu.dma_semaphore, #tpu.memory_space<semaphore_mem>>) src(%dma_wait3A_81 : memref<256xi32, #tpu.memory_space<hbm>>) dst(%arg7 : memref<256xi32, #tpu.memory_space<vmem>>)
        tpu.yield
      }) : () -> ()
      %dma_start3A_70 = arith.constant 0 : i32
      %dma_start3A_71 = arith.constant 0 : i32
      %dma_start3A_72 = tpu.memref_slice %arg9[%dma_start3A_70, %dma_start3A_71] : memref<10112x128xf32, #tpu.memory_space<vmem_shared>> -> memref<10112x128xf32, #tpu.memory_space<vmem_shared>>
      tpu.enqueue_indirect_dma source(%dma_start3A_72 : memref<10112x128xf32, #tpu.memory_space<vmem_shared>>) target(%arg8 : memref<256x128xf32, #tpu.memory_space<vmem>>) offsets(%arg7 : memref<256xi32, #tpu.memory_space<vmem>>) semaphore(%arg10 : memref<!tpu.dma_semaphore, #tpu.memory_space<semaphore_mem>>)
      %dma_wait3A_73 = arith.constant 0 : i32
      %dma_wait3A_74 = arith.constant 0 : i32
      %dma_wait3A_75 = tpu.memref_slice %arg9[%dma_wait3A_73, %dma_wait3A_74] : memref<10112x128xf32, #tpu.memory_space<vmem_shared>> -> memref<10112x128xf32, #tpu.memory_space<vmem_shared>>
      tpu.wait_indirect_dma semaphore(%arg10 : memref<!tpu.dma_semaphore, #tpu.memory_space<semaphore_mem>>) src(%dma_wait3A_75 : memref<10112x128xf32, #tpu.memory_space<vmem_shared>>) dst(%arg8 : memref<256x128xf32, #tpu.memory_space<vmem>>)
      %mul3A_76 = arith.constant 256 : i32
      %mul3A_77 = arith.muli %while3A_59, %mul3A_76 : i32
      "tpu.region"() ({
        %run_scoped3A = tpu.sem_alloc : memref<!tpu.dma_semaphore, #tpu.memory_space<semaphore_mem>>
        %dma_start3A_78 = arith.constant 0 : i32
        %dma_start3A_79 = tpu.memref_slice %arg6[%mul3A_77, %dma_start3A_78] : memref<160000x128xf32, #tpu.memory_space<hbm>> -> memref<256x128xf32, #tpu.memory_space<hbm>>
        %dma_start3A_80 = arith.constant 0 : i32
        %dma_start3A_81 = tpu.memref_slice %arg6[%mul3A_77, %dma_start3A_80] : memref<160000x128xf32, #tpu.memory_space<hbm>> -> memref<256x128xf32, #tpu.memory_space<hbm>>
        tpu.enqueue_dma source(%arg8 : memref<256x128xf32, #tpu.memory_space<vmem>>) target(%dma_start3A_81 : memref<256x128xf32, #tpu.memory_space<hbm>>) target_semaphore(%run_scoped3A : memref<!tpu.dma_semaphore, #tpu.memory_space<semaphore_mem>>)
        %dma_wait3A_82 = arith.constant 0 : i32
        %dma_wait3A_83 = tpu.memref_slice %arg6[%mul3A_77, %dma_wait3A_82] : memref<160000x128xf32, #tpu.memory_space<hbm>> -> memref<256x128xf32, #tpu.memory_space<hbm>>
        %dma_wait3A_84 = arith.constant 0 : i32
        %dma_wait3A_85 = tpu.memref_slice %arg6[%mul3A_77, %dma_wait3A_84] : memref<160000x128xf32, #tpu.memory_space<hbm>> -> memref<256x128xf32, #tpu.memory_space<hbm>>
        tpu.wait_dma2 semaphore(%run_scoped3A : memref<!tpu.dma_semaphore, #tpu.memory_space<semaphore_mem>>) src(%arg8 : memref<256x128xf32, #tpu.memory_space<vmem>>) dst(%dma_wait3A_85 : memref<256x128xf32, #tpu.memory_space<hbm>>)
        tpu.yield
      }) : () -> ()
    }
    %while3A_58 = arith.constant 1 : i32
    scf.for %while3A_59 = %while3A_56 to %while3A_52 step %while3A_58  : i32 {
      %mul3A_60 = arith.constant 256 : i32
      %mul3A_61 = arith.muli %while3A_59, %mul3A_60 : i32
      "tpu.region"() ({
        %run_scoped3A = tpu.sem_alloc : memref<!tpu.dma_semaphore, #tpu.memory_space<semaphore_mem>>
        %dma_start3A_78 = tpu.memref_slice %arg3[%mul3A_61] : memref<160000xi32, #tpu.memory_space<hbm>> -> memref<256xi32, #tpu.memory_space<hbm>>
        %dma_start3A_79 = tpu.memref_slice %arg3[%mul3A_61] : memref<160000xi32, #tpu.memory_space<hbm>> -> memref<256xi32, #tpu.memory_space<hbm>>
        tpu.enqueue_dma source(%dma_start3A_79 : memref<256xi32, #tpu.memory_space<hbm>>) target(%arg7 : memref<256xi32, #tpu.memory_space<vmem>>) target_semaphore(%run_scoped3A : memref<!tpu.dma_semaphore, #tpu.memory_space<semaphore_mem>>)
        %dma_wait3A_80 = tpu.memref_slice %arg3[%mul3A_61] : memref<160000xi32, #tpu.memory_space<hbm>> -> memref<256xi32, #tpu.memory_space<hbm>>
        %dma_wait3A_81 = tpu.memref_slice %arg3[%mul3A_61] : memref<160000xi32, #tpu.memory_space<hbm>> -> memref<256xi32, #tpu.memory_space<hbm>>
        tpu.wait_dma2 semaphore(%run_scoped3A : memref<!tpu.dma_semaphore, #tpu.memory_space<semaphore_mem>>) src(%dma_wait3A_81 : memref<256xi32, #tpu.memory_space<hbm>>) dst(%arg7 : memref<256xi32, #tpu.memory_space<vmem>>)
        tpu.yield
      }) : () -> ()
      %dma_start3A = arith.constant 0 : i32
      %dma_start3A_62 = arith.constant 0 : i32
      %dma_start3A_63 = tpu.memref_slice %arg9[%dma_start3A, %dma_start3A_62] : memref<10112x128xf32, #tpu.memory_space<vmem_shared>> -> memref<10112x128xf32, #tpu.memory_space<vmem_shared>>
      tpu.enqueue_indirect_dma source(%dma_start3A_63 : memref<10112x128xf32, #tpu.memory_space<vmem_shared>>) target(%arg8 : memref<256x128xf32, #tpu.memory_space<vmem>>) offsets(%arg7 : memref<256xi32, #tpu.memory_space<vmem>>) semaphore(%arg10 : memref<!tpu.dma_semaphore, #tpu.memory_space<semaphore_mem>>)
      %dma_wait3A = arith.constant 0 : i32
      %dma_wait3A_64 = arith.constant 0 : i32
      %dma_wait3A_65 = tpu.memref_slice %arg9[%dma_wait3A, %dma_wait3A_64] : memref<10112x128xf32, #tpu.memory_space<vmem_shared>> -> memref<10112x128xf32, #tpu.memory_space<vmem_shared>>
      tpu.wait_indirect_dma semaphore(%arg10 : memref<!tpu.dma_semaphore, #tpu.memory_space<semaphore_mem>>) src(%dma_wait3A_65 : memref<10112x128xf32, #tpu.memory_space<vmem_shared>>) dst(%arg8 : memref<256x128xf32, #tpu.memory_space<vmem>>)
      %mul3A_66 = arith.constant 256 : i32
      %mul3A_67 = arith.muli %while3A_59, %mul3A_66 : i32
      "tpu.region"() ({
        %run_scoped3A = tpu.sem_alloc : memref<!tpu.dma_semaphore, #tpu.memory_space<semaphore_mem>>
        %dma_start3A_78 = arith.constant 0 : i32
        %dma_start3A_79 = tpu.memref_slice %arg5[%mul3A_67, %dma_start3A_78] : memref<160000x128xf32, #tpu.memory_space<hbm>> -> memref<256x128xf32, #tpu.memory_space<hbm>>
        %dma_start3A_80 = arith.constant 0 : i32
        %dma_start3A_81 = tpu.memref_slice %arg5[%mul3A_67, %dma_start3A_80] : memref<160000x128xf32, #tpu.memory_space<hbm>> -> memref<256x128xf32, #tpu.memory_space<hbm>>
        tpu.enqueue_dma source(%arg8 : memref<256x128xf32, #tpu.memory_space<vmem>>) target(%dma_start3A_81 : memref<256x128xf32, #tpu.memory_space<hbm>>) target_semaphore(%run_scoped3A : memref<!tpu.dma_semaphore, #tpu.memory_space<semaphore_mem>>)
        %dma_wait3A_82 = arith.constant 0 : i32
        %dma_wait3A_83 = tpu.memref_slice %arg5[%mul3A_67, %dma_wait3A_82] : memref<160000x128xf32, #tpu.memory_space<hbm>> -> memref<256x128xf32, #tpu.memory_space<hbm>>
        %dma_wait3A_84 = arith.constant 0 : i32
        %dma_wait3A_85 = tpu.memref_slice %arg5[%mul3A_67, %dma_wait3A_84] : memref<160000x128xf32, #tpu.memory_space<hbm>> -> memref<256x128xf32, #tpu.memory_space<hbm>>
        tpu.wait_dma2 semaphore(%run_scoped3A : memref<!tpu.dma_semaphore, #tpu.memory_space<semaphore_mem>>) src(%arg8 : memref<256x128xf32, #tpu.memory_space<vmem>>) dst(%dma_wait3A_85 : memref<256x128xf32, #tpu.memory_space<hbm>>)
        tpu.yield
      }) : () -> ()
      %mul3A_68 = arith.constant 256 : i32
      %mul3A_69 = arith.muli %while3A_59, %mul3A_68 : i32
      "tpu.region"() ({
        %run_scoped3A = tpu.sem_alloc : memref<!tpu.dma_semaphore, #tpu.memory_space<semaphore_mem>>
        %dma_start3A_78 = tpu.memref_slice %arg4[%mul3A_69] : memref<160000xi32, #tpu.memory_space<hbm>> -> memref<256xi32, #tpu.memory_space<hbm>>
        %dma_start3A_79 = tpu.memref_slice %arg4[%mul3A_69] : memref<160000xi32, #tpu.memory_space<hbm>> -> memref<256xi32, #tpu.memory_space<hbm>>
        tpu.enqueue_dma source(%dma_start3A_79 : memref<256xi32, #tpu.memory_space<hbm>>) target(%arg7 : memref<256xi32, #tpu.memory_space<vmem>>) target_semaphore(%run_scoped3A : memref<!tpu.dma_semaphore, #tpu.memory_space<semaphore_mem>>)
        %dma_wait3A_80 = tpu.memref_slice %arg4[%mul3A_69] : memref<160000xi32, #tpu.memory_space<hbm>> -> memref<256xi32, #tpu.memory_space<hbm>>
        %dma_wait3A_81 = tpu.memref_slice %arg4[%mul3A_69] : memref<160000xi32, #tpu.memory_space<hbm>> -> memref<256xi32, #tpu.memory_space<hbm>>
        tpu.wait_dma2 semaphore(%run_scoped3A : memref<!tpu.dma_semaphore, #tpu.memory_space<semaphore_mem>>) src(%dma_wait3A_81 : memref<256xi32, #tpu.memory_space<hbm>>) dst(%arg7 : memref<256xi32, #tpu.memory_space<vmem>>)
        tpu.yield
      }) : () -> ()
      %dma_start3A_70 = arith.constant 0 : i32
      %dma_start3A_71 = arith.constant 0 : i32
      %dma_start3A_72 = tpu.memref_slice %arg9[%dma_start3A_70, %dma_start3A_71] : memref<10112x128xf32, #tpu.memory_space<vmem_shared>> -> memref<10112x128xf32, #tpu.memory_space<vmem_shared>>
      tpu.enqueue_indirect_dma source(%dma_start3A_72 : memref<10112x128xf32, #tpu.memory_space<vmem_shared>>) target(%arg8 : memref<256x128xf32, #tpu.memory_space<vmem>>) offsets(%arg7 : memref<256xi32, #tpu.memory_space<vmem>>) semaphore(%arg10 : memref<!tpu.dma_semaphore, #tpu.memory_space<semaphore_mem>>)
      %dma_wait3A_73 = arith.constant 0 : i32
      %dma_wait3A_74 = arith.constant 0 : i32
      %dma_wait3A_75 = tpu.memref_slice %arg9[%dma_wait3A_73, %dma_wait3A_74] : memref<10112x128xf32, #tpu.memory_space<vmem_shared>> -> memref<10112x128xf32, #tpu.memory_space<vmem_shared>>
      tpu.wait_indirect_dma semaphore(%arg10 : memref<!tpu.dma_semaphore, #tpu.memory_space<semaphore_mem>>) src(%dma_wait3A_75 : memref<10112x128xf32, #tpu.memory_space<vmem_shared>>) dst(%arg8 : memref<256x128xf32, #tpu.memory_space<vmem>>)
      %mul3A_76 = arith.constant 256 : i32
      %mul3A_77 = arith.muli %while3A_59, %mul3A_76 : i32
      "tpu.region"() ({
        %run_scoped3A = tpu.sem_alloc : memref<!tpu.dma_semaphore, #tpu.memory_space<semaphore_mem>>
        %dma_start3A_78 = arith.constant 0 : i32
        %dma_start3A_79 = tpu.memref_slice %arg6[%mul3A_77, %dma_start3A_78] : memref<160000x128xf32, #tpu.memory_space<hbm>> -> memref<256x128xf32, #tpu.memory_space<hbm>>
        %dma_start3A_80 = arith.constant 0 : i32
        %dma_start3A_81 = tpu.memref_slice %arg6[%mul3A_77, %dma_start3A_80] : memref<160000x128xf32, #tpu.memory_space<hbm>> -> memref<256x128xf32, #tpu.memory_space<hbm>>
        tpu.enqueue_dma source(%arg8 : memref<256x128xf32, #tpu.memory_space<vmem>>) target(%dma_start3A_81 : memref<256x128xf32, #tpu.memory_space<hbm>>) target_semaphore(%run_scoped3A : memref<!tpu.dma_semaphore, #tpu.memory_space<semaphore_mem>>)
        %dma_wait3A_82 = arith.constant 0 : i32
        %dma_wait3A_83 = tpu.memref_slice %arg6[%mul3A_77, %dma_wait3A_82] : memref<160000x128xf32, #tpu.memory_space<hbm>> -> memref<256x128xf32, #tpu.memory_space<hbm>>
        %dma_wait3A_84 = arith.constant 0 : i32
        %dma_wait3A_85 = tpu.memref_slice %arg6[%mul3A_77, %dma_wait3A_84] : memref<160000x128xf32, #tpu.memory_space<hbm>> -> memref<256x128xf32, #tpu.memory_space<hbm>>
        tpu.wait_dma2 semaphore(%run_scoped3A : memref<!tpu.dma_semaphore, #tpu.memory_space<semaphore_mem>>) src(%arg8 : memref<256x128xf32, #tpu.memory_space<vmem>>) dst(%dma_wait3A_85 : memref<256x128xf32, #tpu.memory_space<hbm>>)
        tpu.yield
      }) : () -> ()
    }
    return
  }
}

</mosaic_0001>

<sc_bundles>
// kernel: _sc_gather.3.cloned.1.call-start
scs
__scs_entry_jumppad:
0x0: {  	(pc) =	sbr.rel $0x88, $3  }
0x1: {  	(tag) =	ssettag $0x0;
	lr =	simm.s32 $0x1  }
0x2: {  	[smem:$0x3F9E] =	sst lr;
	_ =	strace $0xD0000000  }
0x3: {  	_ = 	snop  }
0x4: {  	_ = 	snop  }
0x5: {  	_ = 	snop  }
0x6: {  	_ = 	snop  }
0x7: {  	_ = 	snop  }
__scs_overlays_trampoline_lowered:
0x8: {  	[smem:$0x3FAD] =	sst s0  }
0x9: {  	[smem:$0x3FAE] =	sst s1  }
0xa: {  	[smem:$0x3FAF] =	sst s2  }
0xb: {  	[smem:$0x3FB0] =	sst s3  }
0xc: {  	[smem:$0x3FB1] =	sst s4  }
0xd: {  	[smem:$0x3FB2] =	sst s5  }
0xe: {  	[smem:$0x3FB3] =	sst s6  }
0xf: {  	[smem:$0x3FB4] =	sst s7  }
0x10: {  	[smem:$0x3FB5] =	sst s8  }
0x11: {  	[smem:$0x3FB6] =	sst s9;
	s0 =	simm.s32 @!p0 $0x0  }
0x12: {  	s1 =	sld [smem:$0x3F9C];
	s0 =	simm.s32 @p0 $0x1  }
0x13: {  	[smem:$0x3FB7] =	sst s0;
	s0 =	simm.s32 @!p1 $0x0  }
0x14: {  	s2 =	sld [smem:$0x3F9B];
	s0 =	simm.s32 @p1 $0x1  }
0x15: {  	[smem:$0x3FB8] =	sst s0;
	s0 =	simm.s32 @!p2 $0x0  }
0x16: {  	s3 =	sld [smem:$0x3FDB];
	s0 =	simm.s32 @p2 $0x1  }
0x17: {  	s4 =	simm.s32 $0x1BF5;
	[smem:$0x3FBA] =	sst s0  }
0x18: {  	s0 =	sld [smem:$0x3F9D];
	_ =	swait.ge [sflag:s4], $0x0  }
0x19: {  	s7 =	sld [smem:$0x3F9E]  }
0x1a: {  	s8 =	sadd.s32 $0xFFFFE003, lr  }
0x1b: {  	s9 =	sadd.s32 $0xFFFFFEF7, lr;
	s5 =	simm.s32 $0xFFFFFFFF;
	p2 =	slt.u32 s8, $0xFFFFF086  }
0x1c: {  	p1 =	slt.u32 s9, $0xF7A;
	s5 =	simm.s32 @!p2 $0x0  }
0x1d: {  	s5 =	simm.s32 @p1 $0x1;
	p0 =	seq.s32 s7, s2  }
0x1e: {  	s7 =	smul.u32 @!p0 $0xF7A, s2;
	p2 =	seq.s32 @!p0 s5, $0x0  }
0x1f: {  	s9 =	smul.u32 $0xF7A, s1;
	s8 =	simm.s32 @!p0 $0x1BF5;
	p2 =	por !p2, p0  }
0x20: {  	[sflag:s8] =	ssyncset.s32 @!p0 $0xFFFFF086;
	s6 =	sadd.s32 @!p0 s3, s7;
	s7 =	simm.s32 @!p0 $0x108  }
0x21: {  	s3 =	sadd.s32 s3, s9;
	s6 =	sadd.s32 @!p0 $0x88, s6;
	s7 =	simm.s32 @p2 $0x1082  }
0x22: {  	[simem:s7], [sflag:s8] =	dma.local @!p0 [hbm:s6], $0xF7A  }
0x23: {  	s9 =	sor.u32 $0xD0000000, s2;
	s6 =	simm.s32 $0x108;
	_ =	swait.ge @!p0 [sflag:s8], $0x0  }
0x24: {  	s3 =	sadd.s32 $0x88, s3;
	s6 =	simm.s32 @!p1 $0x1082;
	[sflag:s4] =	ssyncset.s32 $0xFFFFF086  }
0x25: {  	[simem:s6], [sflag:s4] =	dma.local [hbm:s3], $0xF7A  }
0x26: {  	[smem:$0x3F9E] =	sst s1;
	(tag) =	ssettag s2;
	_ =	strace s9  }
0x27: {  	s1 =	sld [smem:$0x3FAE]  }
0x28: {  	s2 =	sld [smem:$0x3FAF]  }
0x29: {  	s4 =	sld [smem:$0x3FB1]  }
0x2a: {  	p0 =	seq.s32 s5, $0x0;
	s5 =	sld [smem:$0x3FB2]  }
0x2b: {  	s6 =	sld [smem:$0x3FB3]  }
0x2c: {  	s7 =	sld [smem:$0x3FB4]  }
0x2d: {  	s3 =	simm.s32 $0x108;
	s8 =	sld [smem:$0x3FB5]  }
0x2e: {  	s3 =	simm.s32 @!p0 $0x1082;
	s9 =	sld [smem:$0x3FB6]  }
0x2f: {  	lr =	sadd.s32 s0, s3;
	s0 =	sld [smem:$0x3FAD]  }
0x30: {  	s3 =	sld [smem:$0x3FB0]  }
0x31: {  	[smem:$0x3FB9] =	sst s10  }
0x32: {  	s10 =	sld [smem:$0x3FB7];
	_ =	sdelay $0x3  }
0x33: {  	p0 =	seq.s32 s10, $0x1;
	s10 =	sld [smem:$0x3FB9];
	_ =	sdelay $0x3  }
0x34: {  	[smem:$0x3FB9] =	sst s10  }
0x35: {  	s10 =	sld [smem:$0x3FB8];
	_ =	sdelay $0x3  }
0x36: {  	p1 =	seq.s32 s10, $0x1;
	s10 =	sld [smem:$0x3FB9];
	_ =	sdelay $0x3  }
0x37: {  	[smem:$0x3FB9] =	sst s10  }
0x38: {  	s10 =	sld [smem:$0x3FBA]  }
0x39: {  	_ = 	snop;
	(pc) =	sbr.ind lr, $3  }
0x3a: {  	_ = 	snop  }
0x3b: {  	_ = 	snop  }
0x3c: {  	p2 =	seq.s32 s10, $0x1;
	s10 =	sld [smem:$0x3FB9]  }
0x3d: {  	_ =	shalt  }
0x3e: {  	_ =	shalt  }
0x3f: {  	_ =	shalt  }
0x40: {  	_ =	shalt  }
0x41: {  	_ =	shalt  }
0x42: {  	_ =	shalt  }
0x43: {  	_ =	shalt  }
0x44: {  	_ =	shalt  }
0x45: {  	_ =	shalt  }
0x46: {  	_ =	shalt  }
0x47: {  	_ =	shalt  }
0x48: {  	_ =	shalt  }
0x49: {  	_ =	shalt  }
0x4a: {  	_ =	shalt  }
0x4b: {  	_ =	shalt  }
0x4c: {  	_ =	shalt  }
0x4d: {  	_ =	shalt  }
0x4e: {  	_ =	shalt  }
0x4f: {  	_ =	shalt  }
0x50: {  	_ =	shalt  }
0x51: {  	_ =	shalt  }
0x52: {  	_ =	shalt  }
0x53: {  	_ =	shalt  }
0x54: {  	_ =	shalt  }
0x55: {  	_ =	shalt  }
0x56: {  	_ =	shalt  }
0x57: {  	_ =	shalt  }
0x58: {  	_ =	shalt  }
0x59: {  	_ =	shalt  }
0x5a: {  	_ =	shalt  }
0x5b: {  	_ =	shalt  }
0x5c: {  	_ =	shalt  }
0x5d: {  	_ =	shalt  }
0x5e: {  	_ =	shalt  }
0x5f: {  	_ =	shalt  }
0x60: {  	_ =	shalt  }
0x61: {  	_ =	shalt  }
0x62: {  	_ =	shalt  }
0x63: {  	_ =	shalt  }
0x64: {  	_ =	shalt  }
0x65: {  	_ =	shalt  }
0x66: {  	_ =	shalt  }
0x67: {  	_ =	shalt  }
0x68: {  	_ =	shalt  }
0x69: {  	_ =	shalt  }
0x6a: {  	_ =	shalt  }
0x6b: {  	_ =	shalt  }
0x6c: {  	_ =	shalt  }
0x6d: {  	_ =	shalt  }
0x6e: {  	_ =	shalt  }
0x6f: {  	_ =	shalt  }
0x70: {  	_ =	shalt  }
0x71: {  	_ =	shalt  }
0x72: {  	_ =	shalt  }
0x73: {  	_ =	shalt  }
0x74: {  	_ =	shalt  }
0x75: {  	_ =	shalt  }
0x76: {  	_ =	shalt  }
0x77: {  	_ =	shalt  }
0x78: {  	_ =	shalt  }
0x79: {  	_ =	shalt  }
0x7a: {  	_ =	shalt  }
0x7b: {  	_ =	shalt  }
0x7c: {  	_ =	shalt  }
0x7d: {  	_ =	shalt  }
0x7e: {  	_ =	shalt  }
0x7f: {  	_ =	shalt  }
0x80: {  	_ =	shalt  }
0x81: {  	_ =	shalt  }
0x82: {  	_ =	shalt  }
0x83: {  	_ =	shalt  }
0x84: {  	_ =	shalt  }
0x85: {  	_ =	shalt  }
0x86: {  	_ =	shalt  }
0x87: {  	_ =	shalt  }
.Lfunc_end0:
.L_simem_size_0:
called_computation_lowered:
.L_overlay_start_0:
0x88: {  	s2 =	sld [smem:$0x3FD9]  }
0x89: {  	s3 =	sld [smem:$0x3FFE];
	_ =	sdelay $0x1  }
0x8a: {  	s1 =	srdreg.scid  }
0x8b: {  	s0 =	sand.u32 $0x1, s1  }
0x8c: {  	s14 =	sshll.u32 s0, $0xA;
	s2 =	sadd.s32 s3, s2  }
0x8d: {  	s2 =	sadd.s32 s2, s14  }
0x8e: {  	[smem:$0x3FC5] =	sst s2  }
0x8f: {  	_ = 	snop  }
0x90: {  	s2 =	sld [smem:$0x3FD0];
	_ =	sdelay $0x1  }
0x91: {  	s15 =	sld [smem:$0x3FC8]  }
0x92: {  	s5 =	simm.s32 $0xA;
	s6 =	simm.s32 $0x10;
	s4 =	sld [smem:$0x3FC7]  }
0x93: {  	[smem:s6], [sflag:s5] =	dma.local [hbm:s2], $0x1  }
0x94: {  	_ =	swait.eq [sflag:s5], $0x1  }
0x95: {  	[sflag:s5] =	ssyncset.done $0x0  }
0x96: {  	s16 =	sld [smem:$0x10];
	[sflag:s5] =	ssyncadd.s32 $0xFFFFFFFF  }
0x97: {  	s17 =	sld [smem:$0x11];
	(tm) =	ssettm $0x1  }
0x98: {  	s18 =	sld [smem:$0x3FFB];
	_ =	sdelay $0x3  }
0x99: {  	_ =	strace s18  }
0x9a: {  	s6 =	sld [smem:$0x3FFC];
	_ =	sdelay $0x3  }
0x9b: {  	_ =	strace s6  }
0x9c: {  	s6 =	sld [smem:$0x3FFD];
	_ =	sdelay $0x3  }
0x9d: {  	_ =	strace s6  }
0x9e: {  	_ =	strace $0x8FFFFFFF  }
0x9f: {  	s19 =	sld [smem:$0x3FDB];
	_ =	sdelay $0x1  }
0xa0: {  	s7 =	simm.s32 $_scs_section_size  }
0xa1: {  	s8 =	simm.s32 $_size__tile_overlayer_lowered;
	s9 =	simm.s32 $_tile_overlayer_lowered  }
0xa2: {  	s22 =	simm.s32 $0x1BFF;
	s21 =	sshll.u32 s9, $0x1;
	s6 =	sadd.s32 s7, s19  }
0xa3: {  	s10 =	simm.s32 $0x0;
	s20 =	sshll.u32 s8, $0x1;
	s8 =	sadd.s32 s21, s6  }
0xa4: {  	[timem:s10], [sflag:s22] =	dma.local [hbm:s8], s20  }
0xa5: {  	_ =	swait.ge [sflag:s22], s20  }
0xa6: {  	s7 =	ssub.s32 $0x0, s20;
	[sflag:s22] =	ssyncset.done $0x0  }
0xa7: {  	[sflag:s22] =	ssyncadd.s32 s7;
	_ =	sdelay $0x1  }
0xa8: {  	s23 =	simm.s32 $0x1B8B  }
0xa9: {  	_ =	swait.ge [sflag:s23], $0x1  }
0xaa: {  	[sflag:s23] =	ssyncset.done $0x0  }
0xab: {  	s25 =	simm.s32 $0x1B8E;
	s24 =	sld [smem:$0x3FFE];
	[sflag:s23] =	ssyncadd.s32 $0xFFFFFFFF  }
0xac: {  	s26 =	simm.s32 $execute0_lowered;
	[smem:$0x3FD2] =	sst s25  }
0xad: {  	s8 =	sshll.u32 s26, $0x1;
	_ =	strace $0x80000046;
	[dreg:$0x1] =	wrdreg $0xFFFFFFFF  }
0xae: {  	s28 =	simm.s32 $_size_execute0_lowered;
	s6 =	sadd.s32 s6, s8;
	[dreg:$0x0] =	wrdreg $0x0  }
0xaf: {  	s8 =	sshll.u32 s28, $0x1;
	[dreg:$0x2] =	wrdreg s6  }
0xb0: {  	[dreg:$0x3] =	wrdreg s8  }
0xb1: {  	[dreg:$0x4] =	wrdreg $0xC0  }
0xb2: {  	_ =	task [dreg:s10], $0x5FFFF  }
0xb3: {  	[dreg:$0x1] =	wrdreg $0xFFFFFFFF  }
0xb4: {  	[dreg:$0x0] =	wrdreg $0x60  }
0xb5: {  	[dreg:$0x2] =	wrdreg s24  }
0xb6: {  	[dreg:$0x3] =	wrdreg s15  }
0xb7: {  	[dreg:$0x4] =	wrdreg s4  }
0xb8: {  	[dreg:$0x5] =	wrdreg s16  }
0xb9: {  	[dreg:$0x6] =	wrdreg s17  }
0xba: {  	[dreg:$0x7] =	wrdreg $0x81000  }
0xbb: {  	[dreg:$0x8] =	wrdreg $0x9  }
0xbc: {  	_ =	task.clear_ibuf [dreg:s10], $0x9FFFF;
	_ =	strace $0x90000046  }
0xbd: {  	s29 =	simm.s32 $0x9;
	_ =	strace $0x80000048  }
0xbe: {  	_ =	swait.ge [sflag:s29], $0x1  }
0xbf: {  	[sflag:s29] =	ssyncadd.s32 $0xFFFFFFFF  }
0xc0: {  	_ =	strace $0x90000048  }
0xc1: {  	_ =	sfence  }
0xc2: {  	s30 =	sld [smem:$0x0];
	_ =	sdelay $0x2  }
0xc3: {  	s31 =	sshll.u32 s1, $0xD;
	s1 =	sshrl.u32 s1, $0x2  }
0xc4: {  	s3 =	sand.u32 $0x4000, s31;
	s1 =	sadd.s32 s1, s30  }
0xc5: {  	s0 =	sor.u32 s3, s0;
	s1 =	sshll.u32 s1, $0x11  }
0xc6: {  	s0 =	sor.u32 s1, s0  }
0xc7: {  	s0 =	sadd.s32 $0x8F2B, s0  }
0xc8: {  	[sflag:s0] =	ssyncadd.remote.s32 $0x1  }
0xc9: {  	_ =	sfence.sel $0xFFFF  }
0xca: {  	[dreg:$0x0] =	wrdreg $0xFFFFFFFF;
	(pc) =	sbr.abs _section_cstart, $3  }
0xcb: {  	[dreg:$0x1] =	wrdreg $0xFFFFFFFF  }
0xcc: {  	_ =	task.clear_ibuf [dreg:s10], $0x2FFFF;
	_ =	strace $0x9FFFFFFF  }
0xcd: {  	(tm) =	ssettm $0x7FFFFFFF  }
tec
execute0_lowered:
.L_overlay_start_1:
0x0: {  	(tag) =	ssettag $0x1  }
0x1: {  	s4 =	rddreg [dreg:$0x0]  }
0x2: {  	s12 =	rddreg [dreg:$0x1]  }
0x3: {  	s11 =	rddreg [dreg:$0x2]  }
0x4: {  	s10 =	rddreg [dreg:$0x3]  }
0x5: {  	s9 =	rddreg [dreg:$0x4]  }
0x6: {  	s2 =	rddreg [dreg:$0x5]  }
0x7: {  	s0 =	rddreg [dreg:$0x6];
	s3 =	simm.s32 $0x0;
	s1 =	stileid.u32  }
0x8: {  	s6 =	srdreg.scid;
	s17 =	simm.s32 $0x0;
	s5 =	smul.u32 $0x2780, s1  }
0x9: {  	[smem:$0x7FF] =	sst s3;
	s6 =	sand.u32 $0x1, s6;
	s7 =	smul.u32 $0x4F000, s1  }
0xa: {  	s14 =	smul.u32 $0x271, s1;
	s28 =	sshll.u32 s1, $0x6;
	_ =	strace $0x80000047  }
0xb: {  	s25 =	ssub.s32 $0x2, s6;
	s13 =	sshll.u32 s6, $0x4;
	s6 =	smul.u32 $0x2710, s6  }
0xc: {  	s4 =	sadd.s32 s5, s4;
	s8 =	sshrl.u32 s25, $0x1;
	s7 =	sshrl.u32 s7, $0x2  }
0xd: {  	s13 =	sor.u32 s1, s13;
	s5 =	sor.u32 $0x1C02, s28;
	s8 =	ssub.s32 s25, s8  }
0xe: {  	s15 =	sadd.s32 s7, s2;
	s26 =	smul.u32 $0x271, s13;
	s29 =	sadd.s32 s14, s6  }
0xf: {  	s4 =	sadd.s32 $0x600, s4;
	s14 =	simm.s32 $0x2;
	s16 =	sshll.u32 s29, $0x7  }
.Ltmp0:
0x10: {  	s8 =	smax.u32 s8, $0x1;
	s13 =	sand.u32 $0x7FE0, s29;
	(pc) =	sbr.rel .LBB2_1-.Ltmp0, $4  }
0x11: {  	s30 =	sadd.s32 $0x271, s26;
	s6 =	sshrl.u32 s26, $0x5;
	s31 =	sand.u32 $0x3FF000, s16  }
0x12: {  	s11 =	sadd.s32 s13, s11;
	s12 =	sadd.s32 s13, s12;
	s13 =	sshrl.u32 s15, $0x3  }
0x13: {  	s15 =	simm.s32 $0x100;
	s16 =	simm.s32 $0x1;
	s7 =	sshrl.u32 s30, $0x5  }
0x14: {  	s9 =	sadd.s32 s31, s9;
	s10 =	sadd.s32 s31, s10;
	p0 =	sge.u32 s6, s7  }
.LBB2_4:
0x15: {  	[sflag:s14] =	ssyncadd.s32 $0xFFFF8000  }
.LBB2_5:
0x16: {  	s17 =	sadd.s32 $0x1, s17  }
0x17: {  	p1 =	sne.s32 s17, s8  }
.Ltmp1:
0x18: {  	_ = 	snop;
	(pc) =	sbr.rel @!p1 .LBB2_6-.Ltmp1, $1  }
0x19: {  	_ =	sdelay $0x3  }
.LBB2_1:
0x1a: {  	[spmem:s13], [sflag:s5] =	dma.local [hbm:s4], $0x2780  }
.Ltmp2:
0x1b: {  	_ =	swait.ge [sflag:s14], $0x2780;
	(pc) =	sbr.rel @p0 .LBB2_5-.Ltmp2, $3  }
0x1c: {  	[sflag:s14] =	ssyncset.done $0x0  }
0x1d: {  	[sflag:s14] =	ssyncadd.s32 $0xFFFFD880  }
0x1e: {  	[bflag:$0x0] =	sbarrier.arrive $0xFFFF;
	_ =	sdelay $0x1  }
0x1f: {  	[tilespmem:s3], [sflag:$0x2] =	stream.linear.gather [hbm4b:s12+s3], $0x100, $0x38;
	[tilespmem:$0x1BD00] =	vst v63  }
0x20: {  	_ =	swait.ge [sflag:s14], $0x100  }
0x21: {  	[sflag:s14] =	ssyncset.done $0x0  }
0x22: {  	[sflag:s14] =	ssyncadd.s32 $0xFFFFFF00  }
0x23: {  	[tilespmem:s15], [sflag:$0x1] =	stream.indirect.gather [spmem:s2], $0x80, s3, s15, $0xb8;
	[tilespmem:$0x1BD00] =	vst v63  }
0x24: {  	_ =	swait.ge [sflag:s16], $0x8000  }
0x25: {  	[sflag:s16] =	ssyncset.done $0x0  }
0x26: {  	[sflag:s16] =	ssyncadd.s32 $0xFFFF8000  }
0x27: {  	[hbm4b:s10+s3] =	stream.linear.scatter [tilespmem:s15], [sflag:$0x2], $0x8000, $0x38;
	[tilespmem:$0x1BD00] =	vst v63  }
0x28: {  	_ =	swait.ge [sflag:s14], $0x8000  }
0x29: {  	[sflag:s14] =	ssyncset.done $0x0  }
0x2a: {  	[sflag:s14] =	ssyncadd.s32 $0xFFFF8000  }
0x2b: {  	[tilespmem:s3], [sflag:$0x2] =	stream.linear.gather [hbm4b:s11+s3], $0x100, $0x38;
	[tilespmem:$0x1BD00] =	vst v63  }
0x2c: {  	_ =	swait.ge [sflag:s14], $0x100  }
0x2d: {  	[sflag:s14] =	ssyncset.done $0x0  }
0x2e: {  	s18 =	sadd.s32 $0x1, s6;
	[sflag:s14] =	ssyncadd.s32 $0xFFFFFF00  }
0x2f: {  	[tilespmem:s15], [sflag:$0x1] =	stream.indirect.gather [spmem:s2], $0x80, s3, s15, $0xb8;
	[tilespmem:$0x1BD00] =	vst v63  }
0x30: {  	p1 =	slt.u32 s18, s7;
	_ =	swait.ge [sflag:s16], $0x8000  }
.Ltmp3:
0x31: {  	[sflag:s16] =	ssyncset.done $0x0;
	(pc) =	sbr.rel @!p1 .LBB2_4-.Ltmp3, $4  }
0x32: {  	[sflag:s16] =	ssyncadd.s32 $0xFFFF8000  }
0x33: {  	[hbm4b:s9+s3] =	stream.linear.scatter [tilespmem:s15], [sflag:$0x2], $0x8000, $0x38;
	[tilespmem:$0x1BD00] =	vst v63  }
0x34: {  	s19 =	sadd.s32 $0x20, s12;
	s20 =	sadd.s32 $0x1000, s10;
	_ =	swait.ge [sflag:s14], $0x8000  }
0x35: {  	s21 =	sadd.s32 $0x20, s11;
	s22 =	smov.u32 s9;
	[sflag:s14] =	ssyncset.done $0x0  }
.LBB2_3:
0x36: {  	s18 =	sadd.s32 $0x1, s18;
	[sflag:s14] =	ssyncadd.s32 $0xFFFF8000;
	s22 =	sadd.s32 $0x1000, s22  }
0x37: {  	[tilespmem:s3], [sflag:$0x2] =	stream.linear.gather [hbm4b:s19+s3], $0x100, $0x38;
	[tilespmem:$0x1BD00] =	vst v63  }
0x38: {  	p1 =	slt.u32 s18, s7;
	_ =	swait.ge [sflag:s14], $0x100  }
0x39: {  	[sflag:s14] =	ssyncset.done $0x0  }
0x3a: {  	[sflag:s14] =	ssyncadd.s32 $0xFFFFFF00  }
0x3b: {  	[tilespmem:s15], [sflag:$0x1] =	stream.indirect.gather [spmem:s2], $0x80, s3, s15, $0xb8;
	[tilespmem:$0x1BD00] =	vst v63  }
0x3c: {  	_ =	swait.ge [sflag:s16], $0x8000  }
0x3d: {  	[sflag:s16] =	ssyncset.done $0x0  }
0x3e: {  	[sflag:s16] =	ssyncadd.s32 $0xFFFF8000  }
0x3f: {  	[hbm4b:s20+s3] =	stream.linear.scatter [tilespmem:s15], [sflag:$0x2], $0x8000, $0x38;
	[tilespmem:$0x1BD00] =	vst v63  }
0x40: {  	_ =	swait.ge [sflag:s14], $0x8000  }
0x41: {  	[sflag:s14] =	ssyncset.done $0x0  }
0x42: {  	[sflag:s14] =	ssyncadd.s32 $0xFFFF8000  }
0x43: {  	[tilespmem:s3], [sflag:$0x2] =	stream.linear.gather [hbm4b:s21+s3], $0x100, $0x38;
	[tilespmem:$0x1BD00] =	vst v63  }
0x44: {  	_ =	swait.ge [sflag:s14], $0x100  }
0x45: {  	[sflag:s14] =	ssyncset.done $0x0  }
0x46: {  	[sflag:s14] =	ssyncadd.s32 $0xFFFFFF00  }
0x47: {  	[tilespmem:s15], [sflag:$0x1] =	stream.indirect.gather [spmem:s2], $0x80, s3, s15, $0xb8;
	[tilespmem:$0x1BD00] =	vst v63  }
0x48: {  	_ =	swait.ge [sflag:s16], $0x8000  }
.Ltmp4:
0x49: {  	[sflag:s16] =	ssyncset.done $0x0;
	(pc) =	sbr.rel @p1 .LBB2_3-.Ltmp4, $4  }
0x4a: {  	[sflag:s16] =	ssyncadd.s32 $0xFFFF8000  }
0x4b: {  	[hbm4b:s22+s3] =	stream.linear.scatter [tilespmem:s15], [sflag:$0x2], $0x8000, $0x38;
	[tilespmem:$0x1BD00] =	vst v63  }
0x4c: {  	s19 =	sadd.s32 $0x20, s19;
	_ =	swait.ge [sflag:s14], $0x8000  }
0x4d: {  	s20 =	sadd.s32 $0x1000, s20;
	s21 =	sadd.s32 $0x20, s21;
	[sflag:s14] =	ssyncset.done $0x0  }
.Ltmp5:
0x4e: {  	_ = 	snop;
	(pc) =	sbr.rel .LBB2_4-.Ltmp5, $1  }
0x4f: {  	_ =	sdelay $0x3  }
.LBB2_6:
0x50: {  	_ =	sfence.sel $0x180000  }
0x51: {  	[bflag:$0x0] =	sbarrier.arrive $0xFFFF  }
0x52: {  	p0 =	sne.s32 s1, $0x0;
	_ =	strace $0x90000047  }
0x53: {  	s0 =	sadd.s32 @!p0 $0x100000, s0;
	[bflag:$0x2] =	sbarrier.arrive $0xFFFF  }
0x54: {  	[sflag:s0] =	ssyncadd.tile.s32 @!p0 $0x1;
	_ =	shalt  }
.Lfunc_end2:
_tile_overlayer_lowered:
.L_overlay_start_2:
0x55: {  	(tag) =	ssettag $0x2  }
0x56: {  	s0 =	rddreg [dreg:$0x0];
	s2 =	stileid.u32  }
0x57: {  	s1 =	rddreg [dreg:$0x1];
	p0 =	sne.s32 s2, $0x0  }
0x58: {  	s3 =	rddreg [dreg:$0x2];
	[bflag:$0x3] =	sbarrier.arrive $0xFFFF;
	s2 =	simm.s32 @!p0 $0x1C02  }
0x59: {  	[timem:s3], [sflag:s2] =	dma.local @!p0 [hbm:s0], s1  }
0x5a: {  	s0 =	simm.s32 @!p0 $0x2  }
0x5b: {  	_ =	swait.ge @!p0 [sflag:s0], s1  }
0x5c: {  	s1 =	ssub.s32 @!p0 $0x0, s1;
	[sflag:s0] =	ssyncset.done @!p0 $0x0  }
0x5d: {  	[sflag:s0] =	ssyncadd.s32 @!p0 s1  }
0x5e: {  	[bflag:$0x3] =	sbarrier.arrive $0xFFFF  }
0x5f: {  	_ =	shalt  }

</sc_bundles>
